<compile_context>
chip_gen: v7x
topology: tpu7x:2x2x1
jax: 0.10.2.dev20260603
libtpu: 0.0.44.dev20260713+nightly
codegen_flags: <defaults>
</compile_context>

<pallas_src>
import functools

import jax
import jax.numpy as jnp
from jax import lax
from jax.experimental import pallas as pl
from jax.experimental.pallas import tpu as pltpu
from jax.experimental.pallas import tpu_sc as plsc

Q, K, D = 4096, 16384, 64
DD = D * D
KN = 4
TQ = 256
TK = 2048
NKC = K // TK

NC, NS, L = 2, 16, 16
NW = NC * NS
QPW = Q // NW
NP = QPW // 2


def _topk_body(q_ref, g_ref, idx_ref, w_ref):
    q = q_ref[...]
    qsq = jnp.sum(q * q, axis=1, keepdims=True)

    def chunk_step(kc, carry):
        bv, bi = carry
        g = g_ref[pl.ds(kc * TK, TK), :]
        gsq = jnp.sum(g * g, axis=1)[None, :]
        cross = lax.dot_general(q, g, (((1,), (1,)), ((), ())),
                                preferred_element_type=jnp.float32)
        d2 = jnp.maximum(qsq + gsq - 2.0 * cross, 0.0)
        lane = lax.broadcasted_iota(jnp.int32, (TQ, TK), 1)
        cur = d2
        cv, ci = [], []
        for _ in range(KN):
            m = jnp.min(cur, axis=1, keepdims=True)
            am = jnp.min(jnp.where(cur <= m, lane, K), axis=1, keepdims=True)
            cv.append(m)
            ci.append(am + kc * TK)
            cur = jnp.where(lane == am, jnp.float32(jnp.inf), cur)
        av = jnp.concatenate([bv] + cv, axis=1)
        ai = jnp.concatenate([bi] + ci, axis=1)
        lane8 = lax.broadcasted_iota(jnp.int32, (TQ, 2 * KN), 1)
        cur = av
        ov, oi = [], []
        for _ in range(KN):
            m = jnp.min(cur, axis=1, keepdims=True)
            am = jnp.min(jnp.where(cur <= m, lane8, 2 * KN), axis=1,
                         keepdims=True)
            ov.append(m)
            oi.append(jnp.sum(jnp.where(lane8 == am, ai, 0), axis=1,
                              keepdims=True))
            cur = jnp.where(lane8 == am, jnp.float32(jnp.inf), cur)
        return jnp.concatenate(ov, axis=1), jnp.concatenate(oi, axis=1)

    bv0 = jnp.full((TQ, KN), jnp.inf, jnp.float32)
    bi0 = jnp.zeros((TQ, KN), jnp.int32)
    bv, bi = lax.fori_loop(0, NKC, chunk_step, (bv0, bi0))
    dist = jnp.sqrt(bv)
    wgt = 1.0 / (dist + 1e-6)
    wgt = wgt / jnp.sum(wgt, axis=1, keepdims=True)
    idx_ref[...] = bi
    w_ref[...] = wgt


def _topk(positions, grid_positions, interpret=False):
    return pl.pallas_call(
        _topk_body,
        grid=(Q // TQ,),
        in_specs=[
            pl.BlockSpec((TQ, D), lambda i: (i, 0)),
            pl.BlockSpec((K, D), lambda i: (0, 0)),
        ],
        out_specs=[
            pl.BlockSpec((TQ, KN), lambda i: (i, 0)),
            pl.BlockSpec((TQ, KN), lambda i: (i, 0)),
        ],
        out_shape=[
            jax.ShapeDtypeStruct((Q, KN), jnp.int32),
            jax.ShapeDtypeStruct((Q, KN), jnp.float32),
        ],
        interpret=interpret,
    )(positions, grid_positions)


def _blend_body(tbl_hbm, idx_hbm, wb_hbm, out_hbm,
                idx_v, wb_v, rows_v, out_v, gsem):
    wid = lax.axis_index("s") * NC + lax.axis_index("c")
    qbase = wid * QPW
    pltpu.sync_copy(idx_hbm.at[pl.ds(qbase * KN, QPW * KN)], idx_v)
    pltpu.sync_copy(wb_hbm.at[pl.ds(qbase, QPW)], wb_v)

    def pair_step(p, _):
        pltpu.async_copy(tbl_hbm.at[idx_v.at[pl.ds(p * 2 * KN, 2 * KN)]],
                         rows_v, gsem).wait()
        w00 = wb_v[2 * p, 0]
        w01 = wb_v[2 * p, 1]
        w02 = wb_v[2 * p, 2]
        w03 = wb_v[2 * p, 3]
        w10 = wb_v[2 * p + 1, 0]
        w11 = wb_v[2 * p + 1, 1]
        w12 = wb_v[2 * p + 1, 2]
        w13 = wb_v[2 * p + 1, 3]

        def col_step(c, _):
            sl = pl.ds(c * L, L)
            acc0 = w00 * rows_v[0, sl]
            acc0 = acc0 + w01 * rows_v[1, sl]
            acc0 = acc0 + w02 * rows_v[2, sl]
            acc0 = acc0 + w03 * rows_v[3, sl]
            out_v[0, sl] = acc0
            acc1 = w10 * rows_v[4, sl]
            acc1 = acc1 + w11 * rows_v[5, sl]
            acc1 = acc1 + w12 * rows_v[6, sl]
            acc1 = acc1 + w13 * rows_v[7, sl]
            out_v[1, sl] = acc1
            return 0

        lax.fori_loop(0, DD // L, col_step, 0)
        pltpu.sync_copy(out_v, out_hbm.at[pl.ds(qbase + 2 * p, 2)])
        return 0

    lax.fori_loop(0, NP, pair_step, 0)


def _blend(tbl, idx_flat, wb):
    mesh = plsc.VectorSubcoreMesh(core_axis_name="c", subcore_axis_name="s",
                                  num_cores=NC, num_subcores=NS)
    f = pl.kernel(
        _blend_body,
        out_type=jax.ShapeDtypeStruct((Q, DD), jnp.float32),
        mesh=mesh,
        scratch_types=[
            pltpu.VMEM((QPW * KN,), jnp.int32),
            pltpu.VMEM((QPW, KN, L), jnp.float32),
            pltpu.VMEM((2 * KN, DD), jnp.float32),
            pltpu.VMEM((2, DD), jnp.float32),
            pltpu.SemaphoreType.DMA,
        ],
    )
    return f(tbl, idx_flat, wb)


def kernel(positions, grid_positions, cached_metrics):
    idx, w = _topk(positions, grid_positions)
    wb = jnp.broadcast_to(w[:, :, None], (Q, KN, L))
    tbl = cached_metrics.reshape(K, DD)
    out = _blend(tbl, idx.reshape(-1), wb)
    return out.reshape(Q, D, D)

# --- scband reference (transcript-rebuilt; emitter-appended) ---
"""Pipeline reference for scband-fast-jacobian-metric-layer-73040213836080 (READ-ONLY COPY).

The authoritative reference and input builder live on the scoring server;
editing this copy changes nothing except your own understanding.
"""

import jax, jax.numpy as jnp
import numpy as np

K_NEIGHBORS = 4

def setup_inputs(seed: int = 0) -> dict:
    key = jax.random.key(seed)
    k1, k2, k3 = jax.random.split(key, 3)
    Q, K, D = 4096, 16384, 64
    positions = jax.random.normal(k1, (Q, D), dtype=jnp.float32)
    grid_positions = jax.random.normal(k2, (K, D), dtype=jnp.float32)
    cached_metrics = jax.random.normal(k3, (K, D, D), dtype=jnp.float32)
    return {"positions": positions, "grid_positions": grid_positions, "cached_metrics": cached_metrics}

def reference(positions, grid_positions, cached_metrics):
    # Faithful JAX translation of BatchJacobianCache.get_interpolated_metrics
    # with a fully-populated (valid) cache: kNN (k=4) over grid points with
    # Euclidean distance (cKDTree.query equivalent), then inverse-distance
    # weighted interpolation of cached metric tensors.
    # positions: [Q, D]; grid_positions: [K, D]; cached_metrics: [K, D, D]
    q_sq = jnp.sum(positions * positions, axis=1, keepdims=True)        # [Q, 1]
    g_sq = jnp.sum(grid_positions * grid_positions, axis=1)             # [K]
    cross = positions @ grid_positions.T                                 # [Q, K]
    d2 = jnp.maximum(q_sq + g_sq[None, :] - 2.0 * cross, 0.0)           # [Q, K]
    dist = jnp.sqrt(d2)                                                  # [Q, K]
    neg_top, idx = jax.lax.top_k(-dist, K_NEIGHBORS)                     # [Q, 4]
    knn_dist = -neg_top                                                  # [Q, 4]
    weights = 1.0 / (knn_dist + 1e-06)                                   # [Q, 4]
    weights = weights / jnp.sum(weights, axis=1, keepdims=True)          # [Q, 4]
    neighbor_metrics = jnp.take(cached_metrics, idx, axis=0)             # [Q, 4, D, D]
    result = jnp.einsum('qk,qkij->qij', weights, neighbor_metrics)       # [Q, D, D]
    return result

if __name__ == "__main__":
    import jax
    _d = setup_inputs()
    print(jax.jit(kernel)(*tuple(_d.values())))

</pallas_src>

<mosaic_0001>
#map = affine_map<(d0, d1) -> (0, 0)>
#map1 = affine_map<(d0, d1) -> (0)>
#map2 = affine_map<(d0, d1) -> (0, 0, 0)>
module attributes {stable_mosaic.version = 14 : i64} {
  func.func @_blend_body(%arg0: i32, %arg1: i32, %arg2: memref<16384x4096xf32, #tpu.memory_space<hbm>>, %arg3: memref<16384xi32, #tpu.memory_space<hbm>>, %arg4: memref<4096x4x16xf32, #tpu.memory_space<hbm>>, %arg5: memref<4096x4096xf32, #tpu.memory_space<hbm>>, %arg6: memref<512xi32, #tpu.memory_space<vmem>>, %arg7: memref<128x4x16xf32, #tpu.memory_space<vmem>>, %arg8: memref<8x4096xf32, #tpu.memory_space<vmem>>, %arg9: memref<2x4096xf32, #tpu.memory_space<vmem>>, %arg10: memref<!tpu.dma_semaphore, #tpu.memory_space<semaphore_mem>>) attributes {dimension_semantics = [#tpu.dimension_semantics<core_parallel>, #tpu.dimension_semantics<subcore_parallel>], iteration_bounds = array<i64: 2, 16>, scalar_prefetch = 0 : i64, scratch_operands = 5 : i64, tpu.core_type = #tpu.core_type<sc_vector_subcore>, window_params = [{transform_indices = #map}, {transform_indices = #map1}, {transform_indices = #map2}, {transform_indices = #map}]} {
    %mul3A = arith.constant 2 : i32
    %mul3A_0 = arith.muli %arg1, %mul3A : i32
    %add3A = arith.addi %mul3A_0, %arg0 : i32
    %mul3A_1 = arith.constant 128 : i32
    %mul3A_2 = arith.muli %add3A, %mul3A_1 : i32
    %mul3A_3 = arith.constant 4 : i32
    %mul3A_4 = arith.muli %mul3A_2, %mul3A_3 : i32
    "tpu.region"() ({
      %run_scoped3A = tpu.sem_alloc : memref<!tpu.dma_semaphore, #tpu.memory_space<semaphore_mem>>
      %dma_start3A = tpu.memref_slice %arg3[%mul3A_4] : memref<16384xi32, #tpu.memory_space<hbm>> -> memref<512xi32, #tpu.memory_space<hbm>>
      %dma_start3A_11 = tpu.memref_slice %arg3[%mul3A_4] : memref<16384xi32, #tpu.memory_space<hbm>> -> memref<512xi32, #tpu.memory_space<hbm>>
      tpu.enqueue_dma source(%dma_start3A_11 : memref<512xi32, #tpu.memory_space<hbm>>) target(%arg6 : memref<512xi32, #tpu.memory_space<vmem>>) target_semaphore(%run_scoped3A : memref<!tpu.dma_semaphore, #tpu.memory_space<semaphore_mem>>)
      %dma_wait3A = tpu.memref_slice %arg3[%mul3A_4] : memref<16384xi32, #tpu.memory_space<hbm>> -> memref<512xi32, #tpu.memory_space<hbm>>
      %dma_wait3A_12 = tpu.memref_slice %arg3[%mul3A_4] : memref<16384xi32, #tpu.memory_space<hbm>> -> memref<512xi32, #tpu.memory_space<hbm>>
      tpu.wait_dma2 semaphore(%run_scoped3A : memref<!tpu.dma_semaphore, #tpu.memory_space<semaphore_mem>>) src(%dma_wait3A_12 : memref<512xi32, #tpu.memory_space<hbm>>) dst(%arg6 : memref<512xi32, #tpu.memory_space<vmem>>)
      tpu.yield
    }) : () -> ()
    "tpu.region"() ({
      %run_scoped3A = tpu.sem_alloc : memref<!tpu.dma_semaphore, #tpu.memory_space<semaphore_mem>>
      %dma_start3A = arith.constant 0 : i32
      %dma_start3A_11 = arith.constant 0 : i32
      %dma_start3A_12 = tpu.memref_slice %arg4[%mul3A_2, %dma_start3A, %dma_start3A_11] : memref<4096x4x16xf32, #tpu.memory_space<hbm>> -> memref<128x4x16xf32, #tpu.memory_space<hbm>>
      %dma_start3A_13 = arith.constant 0 : i32
      %dma_start3A_14 = arith.constant 0 : i32
      %dma_start3A_15 = tpu.memref_slice %arg4[%mul3A_2, %dma_start3A_13, %dma_start3A_14] : memref<4096x4x16xf32, #tpu.memory_space<hbm>> -> memref<128x4x16xf32, #tpu.memory_space<hbm>>
      tpu.enqueue_dma source(%dma_start3A_15 : memref<128x4x16xf32, #tpu.memory_space<hbm>>) target(%arg7 : memref<128x4x16xf32, #tpu.memory_space<vmem>>) target_semaphore(%run_scoped3A : memref<!tpu.dma_semaphore, #tpu.memory_space<semaphore_mem>>)
      %dma_wait3A = arith.constant 0 : i32
      %dma_wait3A_16 = arith.constant 0 : i32
      %dma_wait3A_17 = tpu.memref_slice %arg4[%mul3A_2, %dma_wait3A, %dma_wait3A_16] : memref<4096x4x16xf32, #tpu.memory_space<hbm>> -> memref<128x4x16xf32, #tpu.memory_space<hbm>>
      %dma_wait3A_18 = arith.constant 0 : i32
      %dma_wait3A_19 = arith.constant 0 : i32
      %dma_wait3A_20 = tpu.memref_slice %arg4[%mul3A_2, %dma_wait3A_18, %dma_wait3A_19] : memref<4096x4x16xf32, #tpu.memory_space<hbm>> -> memref<128x4x16xf32, #tpu.memory_space<hbm>>
      tpu.wait_dma2 semaphore(%run_scoped3A : memref<!tpu.dma_semaphore, #tpu.memory_space<semaphore_mem>>) src(%dma_wait3A_20 : memref<128x4x16xf32, #tpu.memory_space<hbm>>) dst(%arg7 : memref<128x4x16xf32, #tpu.memory_space<vmem>>)
      tpu.yield
    }) : () -> ()
    %scan3A = arith.constant 0 : i32
    %scan3A_5 = arith.constant 0 : i32
    %scan3A_6 = arith.constant 64 : i32
    %scan3A_7 = arith.addi %scan3A_5, %scan3A_6 : i32
    %scan3A_8 = arith.constant 1 : i32
    %scan3A_9 = scf.for %scan3A_11 = %scan3A_5 to %scan3A_7 step %scan3A_8 iter_args(%scan3A_12 = %scan3A) -> (i32)  : i32 {
      %mul3A_13 = arith.constant 2 : i32
      %mul3A_14 = arith.muli %scan3A_11, %mul3A_13 : i32
      %mul3A_15 = arith.constant 4 : i32
      %mul3A_16 = arith.muli %mul3A_14, %mul3A_15 : i32
      %dma_start3A = tpu.memref_slice %arg6[%mul3A_16] : memref<512xi32, #tpu.memory_space<vmem>> -> memref<8xi32, #tpu.memory_space<vmem>>
      %dma_start3A_17 = arith.constant 0 : i32
      %dma_start3A_18 = arith.constant 0 : i32
      %dma_start3A_19 = tpu.memref_slice %arg2[%dma_start3A_17, %dma_start3A_18] : memref<16384x4096xf32, #tpu.memory_space<hbm>> -> memref<16384x4096xf32, #tpu.memory_space<hbm>>
      tpu.enqueue_indirect_dma source(%dma_start3A_19 : memref<16384x4096xf32, #tpu.memory_space<hbm>>) target(%arg8 : memref<8x4096xf32, #tpu.memory_space<vmem>>) offsets(%dma_start3A : memref<8xi32, #tpu.memory_space<vmem>>) semaphore(%arg10 : memref<!tpu.dma_semaphore, #tpu.memory_space<semaphore_mem>>)
      %dma_wait3A = tpu.memref_slice %arg6[%mul3A_16] : memref<512xi32, #tpu.memory_space<vmem>> -> memref<8xi32, #tpu.memory_space<vmem>>
      %dma_wait3A_20 = arith.constant 0 : i32
      %dma_wait3A_21 = arith.constant 0 : i32
      %dma_wait3A_22 = tpu.memref_slice %arg2[%dma_wait3A_20, %dma_wait3A_21] : memref<16384x4096xf32, #tpu.memory_space<hbm>> -> memref<16384x4096xf32, #tpu.memory_space<hbm>>
      tpu.wait_indirect_dma semaphore(%arg10 : memref<!tpu.dma_semaphore, #tpu.memory_space<semaphore_mem>>) src(%dma_wait3A_22 : memref<16384x4096xf32, #tpu.memory_space<hbm>>) dst(%arg8 : memref<8x4096xf32, #tpu.memory_space<vmem>>)
      %mul3A_23 = arith.constant 2 : i32
      %mul3A_24 = arith.muli %mul3A_23, %scan3A_11 : i32
      %get3A = arith.constant 0 : i32
      %get3A_25 = arith.index_cast %mul3A_24 : i32 to index
      %get3A_26 = arith.index_cast %get3A : i32 to index
      %get3A_27 = arith.constant 0 : index
      %get3A_28 = tpu.vector_load %arg7[%get3A_25, %get3A_26, %get3A_27] {strides = array<i32>} : memref<128x4x16xf32, #tpu.memory_space<vmem>>, vector<1x1x16xf32>,
      %get3A_29 = vector.shape_cast %get3A_28 : vector<1x1x16xf32> to vector<16xf32>
      %mul3A_30 = arith.constant 2 : i32
      %mul3A_31 = arith.muli %mul3A_30, %scan3A_11 : i32
      %get3A_32 = arith.constant 1 : i32
      %get3A_33 = arith.index_cast %mul3A_31 : i32 to index
      %get3A_34 = arith.index_cast %get3A_32 : i32 to index
      %get3A_35 = arith.constant 0 : index
      %get3A_36 = tpu.vector_load %arg7[%get3A_33, %get3A_34, %get3A_35] {strides = array<i32>} : memref<128x4x16xf32, #tpu.memory_space<vmem>>, vector<1x1x16xf32>,
      %get3A_37 = vector.shape_cast %get3A_36 : vector<1x1x16xf32> to vector<16xf32>
      %mul3A_38 = arith.constant 2 : i32
      %mul3A_39 = arith.muli %mul3A_38, %scan3A_11 : i32
      %get3A_40 = arith.constant 2 : i32
      %get3A_41 = arith.index_cast %mul3A_39 : i32 to index
      %get3A_42 = arith.index_cast %get3A_40 : i32 to index
      %get3A_43 = arith.constant 0 : index
      %get3A_44 = tpu.vector_load %arg7[%get3A_41, %get3A_42, %get3A_43] {strides = array<i32>} : memref<128x4x16xf32, #tpu.memory_space<vmem>>, vector<1x1x16xf32>,
      %get3A_45 = vector.shape_cast %get3A_44 : vector<1x1x16xf32> to vector<16xf32>
      %mul3A_46 = arith.constant 2 : i32
      %mul3A_47 = arith.muli %mul3A_46, %scan3A_11 : i32
      %get3A_48 = arith.constant 3 : i32
      %get3A_49 = arith.index_cast %mul3A_47 : i32 to index
      %get3A_50 = arith.index_cast %get3A_48 : i32 to index
      %get3A_51 = arith.constant 0 : index
      %get3A_52 = tpu.vector_load %arg7[%get3A_49, %get3A_50, %get3A_51] {strides = array<i32>} : memref<128x4x16xf32, #tpu.memory_space<vmem>>, vector<1x1x16xf32>,
      %get3A_53 = vector.shape_cast %get3A_52 : vector<1x1x16xf32> to vector<16xf32>
      %mul3A_54 = arith.constant 2 : i32
      %mul3A_55 = arith.muli %mul3A_54, %scan3A_11 : i32
      %add3A_56 = arith.constant 1 : i32
      %add3A_57 = arith.addi %mul3A_55, %add3A_56 : i32
      %get3A_58 = arith.constant 0 : i32
      %get3A_59 = arith.index_cast %add3A_57 : i32 to index
      %get3A_60 = arith.index_cast %get3A_58 : i32 to index
      %get3A_61 = arith.constant 0 : index
      %get3A_62 = tpu.vector_load %arg7[%get3A_59, %get3A_60, %get3A_61] {strides = array<i32>} : memref<128x4x16xf32, #tpu.memory_space<vmem>>, vector<1x1x16xf32>,
      %get3A_63 = vector.shape_cast %get3A_62 : vector<1x1x16xf32> to vector<16xf32>
      %mul3A_64 = arith.constant 2 : i32
      %mul3A_65 = arith.muli %mul3A_64, %scan3A_11 : i32
      %add3A_66 = arith.constant 1 : i32
      %add3A_67 = arith.addi %mul3A_65, %add3A_66 : i32
      %get3A_68 = arith.constant 1 : i32
      %get3A_69 = arith.index_cast %add3A_67 : i32 to index
      %get3A_70 = arith.index_cast %get3A_68 : i32 to index
      %get3A_71 = arith.constant 0 : index
      %get3A_72 = tpu.vector_load %arg7[%get3A_69, %get3A_70, %get3A_71] {strides = array<i32>} : memref<128x4x16xf32, #tpu.memory_space<vmem>>, vector<1x1x16xf32>,
      %get3A_73 = vector.shape_cast %get3A_72 : vector<1x1x16xf32> to vector<16xf32>
      %mul3A_74 = arith.constant 2 : i32
      %mul3A_75 = arith.muli %mul3A_74, %scan3A_11 : i32
      %add3A_76 = arith.constant 1 : i32
      %add3A_77 = arith.addi %mul3A_75, %add3A_76 : i32
      %get3A_78 = arith.constant 2 : i32
      %get3A_79 = arith.index_cast %add3A_77 : i32 to index
      %get3A_80 = arith.index_cast %get3A_78 : i32 to index
      %get3A_81 = arith.constant 0 : index
      %get3A_82 = tpu.vector_load %arg7[%get3A_79, %get3A_80, %get3A_81] {strides = array<i32>} : memref<128x4x16xf32, #tpu.memory_space<vmem>>, vector<1x1x16xf32>,
      %get3A_83 = vector.shape_cast %get3A_82 : vector<1x1x16xf32> to vector<16xf32>
      %mul3A_84 = arith.constant 2 : i32
      %mul3A_85 = arith.muli %mul3A_84, %scan3A_11 : i32
      %add3A_86 = arith.constant 1 : i32
      %add3A_87 = arith.addi %mul3A_85, %add3A_86 : i32
      %get3A_88 = arith.constant 3 : i32
      %get3A_89 = arith.index_cast %add3A_87 : i32 to index
      %get3A_90 = arith.index_cast %get3A_88 : i32 to index
      %get3A_91 = arith.constant 0 : index
      %get3A_92 = tpu.vector_load %arg7[%get3A_89, %get3A_90, %get3A_91] {strides = array<i32>} : memref<128x4x16xf32, #tpu.memory_space<vmem>>, vector<1x1x16xf32>,
      %get3A_93 = vector.shape_cast %get3A_92 : vector<1x1x16xf32> to vector<16xf32>
      %scan3A_94 = arith.constant 0 : i32
      %scan3A_95 = arith.constant 0 : i32
      %scan3A_96 = arith.constant 256 : i32
      %scan3A_97 = arith.addi %scan3A_95, %scan3A_96 : i32
      %scan3A_98 = arith.constant 1 : i32
      %scan3A_99 = scf.for %scan3A_105 = %scan3A_95 to %scan3A_97 step %scan3A_98 iter_args(%scan3A_106 = %scan3A_94) -> (i32)  : i32 {
        %mul3A_107 = arith.constant 16 : i32
        %mul3A_108 = arith.muli %scan3A_105, %mul3A_107 : i32
        %get3A_109 = arith.constant 0 : i32
        %get3A_110 = arith.index_cast %get3A_109 : i32 to index
        %get3A_111 = arith.index_cast %mul3A_108 : i32 to index
        %get3A_112 = tpu.vector_load %arg8[%get3A_110, %get3A_111] {strides = array<i32>} : memref<8x4096xf32, #tpu.memory_space<vmem>>, vector<1x16xf32>,
        %get3A_113 = vector.shape_cast %get3A_112 : vector<1x16xf32> to vector<16xf32>
        %mul3A_114 = arith.mulf %get3A_29, %get3A_113 : vector<16xf32>
        %get3A_115 = arith.constant 1 : i32
        %get3A_116 = arith.index_cast %get3A_115 : i32 to index
        %get3A_117 = arith.index_cast %mul3A_108 : i32 to index
        %get3A_118 = tpu.vector_load %arg8[%get3A_116, %get3A_117] {strides = array<i32>} : memref<8x4096xf32, #tpu.memory_space<vmem>>, vector<1x16xf32>,
        %get3A_119 = vector.shape_cast %get3A_118 : vector<1x16xf32> to vector<16xf32>
        %mul3A_120 = arith.mulf %get3A_37, %get3A_119 : vector<16xf32>
        %add3A_121 = arith.addf %mul3A_114, %mul3A_120 : vector<16xf32>
        %get3A_122 = arith.constant 2 : i32
        %get3A_123 = arith.index_cast %get3A_122 : i32 to index
        %get3A_124 = arith.index_cast %mul3A_108 : i32 to index
        %get3A_125 = tpu.vector_load %arg8[%get3A_123, %get3A_124] {strides = array<i32>} : memref<8x4096xf32, #tpu.memory_space<vmem>>, vector<1x16xf32>,
        %get3A_126 = vector.shape_cast %get3A_125 : vector<1x16xf32> to vector<16xf32>
        %mul3A_127 = arith.mulf %get3A_45, %get3A_126 : vector<16xf32>
        %add3A_128 = arith.addf %add3A_121, %mul3A_127 : vector<16xf32>
        %get3A_129 = arith.constant 3 : i32
        %get3A_130 = arith.index_cast %get3A_129 : i32 to index
        %get3A_131 = arith.index_cast %mul3A_108 : i32 to index
        %get3A_132 = tpu.vector_load %arg8[%get3A_130, %get3A_131] {strides = array<i32>} : memref<8x4096xf32, #tpu.memory_space<vmem>>, vector<1x16xf32>,
        %get3A_133 = vector.shape_cast %get3A_132 : vector<1x16xf32> to vector<16xf32>
        %mul3A_134 = arith.mulf %get3A_53, %get3A_133 : vector<16xf32>
        %add3A_135 = arith.addf %add3A_128, %mul3A_134 : vector<16xf32>
        %swap3A = arith.constant 0 : i32
        %swap3A_136 = arith.index_cast %swap3A : i32 to index
        %swap3A_137 = arith.index_cast %mul3A_108 : i32 to index
        %swap3A_138 = tpu.vector_load %arg9[%swap3A_136, %swap3A_137] {strides = array<i32>} : memref<2x4096xf32, #tpu.memory_space<vmem>>, vector<1x16xf32>,
        %swap3A_139 = vector.shape_cast %swap3A_138 : vector<1x16xf32> to vector<16xf32>
        %swap3A_140 = vector.shape_cast %add3A_135 : vector<16xf32> to vector<1x16xf32>
        tpu.vector_store %arg9[%swap3A_136, %swap3A_137], %swap3A_140 {strides = array<i32>} : memref<2x4096xf32, #tpu.memory_space<vmem>>, vector<1x16xf32>,
        %get3A_141 = arith.constant 4 : i32
        %get3A_142 = arith.index_cast %get3A_141 : i32 to index
        %get3A_143 = arith.index_cast %mul3A_108 : i32 to index
        %get3A_144 = tpu.vector_load %arg8[%get3A_142, %get3A_143] {strides = array<i32>} : memref<8x4096xf32, #tpu.memory_space<vmem>>, vector<1x16xf32>,
        %get3A_145 = vector.shape_cast %get3A_144 : vector<1x16xf32> to vector<16xf32>
        %mul3A_146 = arith.mulf %get3A_63, %get3A_145 : vector<16xf32>
        %get3A_147 = arith.constant 5 : i32
        %get3A_148 = arith.index_cast %get3A_147 : i32 to index
        %get3A_149 = arith.index_cast %mul3A_108 : i32 to index
        %get3A_150 = tpu.vector_load %arg8[%get3A_148, %get3A_149] {strides = array<i32>} : memref<8x4096xf32, #tpu.memory_space<vmem>>, vector<1x16xf32>,
        %get3A_151 = vector.shape_cast %get3A_150 : vector<1x16xf32> to vector<16xf32>
        %mul3A_152 = arith.mulf %get3A_73, %get3A_151 : vector<16xf32>
        %add3A_153 = arith.addf %mul3A_146, %mul3A_152 : vector<16xf32>
        %get3A_154 = arith.constant 6 : i32
        %get3A_155 = arith.index_cast %get3A_154 : i32 to index
        %get3A_156 = arith.index_cast %mul3A_108 : i32 to index
        %get3A_157 = tpu.vector_load %arg8[%get3A_155, %get3A_156] {strides = array<i32>} : memref<8x4096xf32, #tpu.memory_space<vmem>>, vector<1x16xf32>,
        %get3A_158 = vector.shape_cast %get3A_157 : vector<1x16xf32> to vector<16xf32>
        %mul3A_159 = arith.mulf %get3A_83, %get3A_158 : vector<16xf32>
        %add3A_160 = arith.addf %add3A_153, %mul3A_159 : vector<16xf32>
        %get3A_161 = arith.constant 7 : i32
        %get3A_162 = arith.index_cast %get3A_161 : i32 to index
        %get3A_163 = arith.index_cast %mul3A_108 : i32 to index
        %get3A_164 = tpu.vector_load %arg8[%get3A_162, %get3A_163] {strides = array<i32>} : memref<8x4096xf32, #tpu.memory_space<vmem>>, vector<1x16xf32>,
        %get3A_165 = vector.shape_cast %get3A_164 : vector<1x16xf32> to vector<16xf32>
        %mul3A_166 = arith.mulf %get3A_93, %get3A_165 : vector<16xf32>
        %add3A_167 = arith.addf %add3A_160, %mul3A_166 : vector<16xf32>
        %swap3A_168 = arith.constant 1 : i32
        %swap3A_169 = arith.index_cast %swap3A_168 : i32 to index
        %swap3A_170 = arith.index_cast %mul3A_108 : i32 to index
        %swap3A_171 = tpu.vector_load %arg9[%swap3A_169, %swap3A_170] {strides = array<i32>} : memref<2x4096xf32, #tpu.memory_space<vmem>>, vector<1x16xf32>,
        %swap3A_172 = vector.shape_cast %swap3A_171 : vector<1x16xf32> to vector<16xf32>
        %swap3A_173 = vector.shape_cast %add3A_167 : vector<16xf32> to vector<1x16xf32>
        tpu.vector_store %arg9[%swap3A_169, %swap3A_170], %swap3A_173 {strides = array<i32>} : memref<2x4096xf32, #tpu.memory_space<vmem>>, vector<1x16xf32>,
        %scan3A_174 = arith.constant 0 : i32
        scf.yield %scan3A_174 : i32
      }
      %scan3A_100 = arith.constant 256 : i32
      %mul3A_101 = arith.constant 2 : i32
      %mul3A_102 = arith.muli %mul3A_101, %scan3A_11 : i32
      %add3A_103 = arith.addi %mul3A_2, %mul3A_102 : i32
      "tpu.region"() ({
        %run_scoped3A = tpu.sem_alloc : memref<!tpu.dma_semaphore, #tpu.memory_space<semaphore_mem>>
        %dma_start3A_105 = arith.constant 0 : i32
        %dma_start3A_106 = tpu.memref_slice %arg5[%add3A_103, %dma_start3A_105] : memref<4096x4096xf32, #tpu.memory_space<hbm>> -> memref<2x4096xf32, #tpu.memory_space<hbm>>
        %dma_start3A_107 = arith.constant 0 : i32
        %dma_start3A_108 = tpu.memref_slice %arg5[%add3A_103, %dma_start3A_107] : memref<4096x4096xf32, #tpu.memory_space<hbm>> -> memref<2x4096xf32, #tpu.memory_space<hbm>>
        tpu.enqueue_dma source(%arg9 : memref<2x4096xf32, #tpu.memory_space<vmem>>) target(%dma_start3A_108 : memref<2x4096xf32, #tpu.memory_space<hbm>>) target_semaphore(%run_scoped3A : memref<!tpu.dma_semaphore, #tpu.memory_space<semaphore_mem>>)
        %dma_wait3A_109 = arith.constant 0 : i32
        %dma_wait3A_110 = tpu.memref_slice %arg5[%add3A_103, %dma_wait3A_109] : memref<4096x4096xf32, #tpu.memory_space<hbm>> -> memref<2x4096xf32, #tpu.memory_space<hbm>>
        %dma_wait3A_111 = arith.constant 0 : i32
        %dma_wait3A_112 = tpu.memref_slice %arg5[%add3A_103, %dma_wait3A_111] : memref<4096x4096xf32, #tpu.memory_space<hbm>> -> memref<2x4096xf32, #tpu.memory_space<hbm>>
        tpu.wait_dma2 semaphore(%run_scoped3A : memref<!tpu.dma_semaphore, #tpu.memory_space<semaphore_mem>>) src(%arg9 : memref<2x4096xf32, #tpu.memory_space<vmem>>) dst(%dma_wait3A_112 : memref<2x4096xf32, #tpu.memory_space<hbm>>)
        tpu.yield
      }) : () -> ()
      %scan3A_104 = arith.constant 0 : i32
      scf.yield %scan3A_104 : i32
    }
    %scan3A_10 = arith.constant 64 : i32
    return
  }
}

module attributes {stable_mosaic.version = 14 : i64} {
  func.func @_topk_body(%arg0: i32, %arg1: memref<256x64xf32, #tpu.memory_space<vmem>>, %arg2: memref<16384x64xf32, #tpu.memory_space<vmem>>, %arg3: memref<256x4xi32, #tpu.memory_space<vmem>>, %arg4: memref<256x4xf32, #tpu.memory_space<vmem>>) attributes {dimension_semantics = [#tpu.dimension_semantics<arbitrary>], iteration_bounds = array<i64: 16>, scalar_prefetch = 0 : i64, scratch_operands = 0 : i64, tpu.core_type = #tpu.core_type<tc>, window_params = [{transform_indices = @transform_0, window_bounds = array<i64: 256, 64>}, {pipeline_mode = #tpu.pipeline_mode<synchronous>, transform_indices = @transform_1, window_bounds = array<i64: 16384, 64>}, {transform_indices = @transform_2, window_bounds = array<i64: 256, 4>}, {transform_indices = @transform_3, window_bounds = array<i64: 256, 4>}]} {
    %get3A = arith.constant 0 : index
    %get3A_0 = arith.constant 0 : index
    %get3A_1 = vector.load %arg1[%get3A, %get3A_0] : memref<256x64xf32, #tpu.memory_space<vmem>>, vector<256x64xf32>
    %mul3A = arith.mulf %get3A_1, %get3A_1 : vector<256x64xf32>
    %reduce_sum3A = arith.constant dense<0.000000e+00> : vector<256xf32>
    %reduce_sum3A_2 = vector.multi_reduction <add>, %mul3A, %reduce_sum3A [1] : vector<256x64xf32> to vector<256xf32>
    %broadcast_in_dim3A = vector.shape_cast %reduce_sum3A_2 : vector<256xf32> to vector<256x1xf32>
    %broadcast_in_dim3A_3 = arith.constant 0x7F800000 : f32
    %broadcast_in_dim3A_4 = vector.broadcast %broadcast_in_dim3A_3 : f32 to vector<256x4xf32>
    %broadcast_in_dim3A_5 = arith.constant 0 : i32
    %broadcast_in_dim3A_6 = vector.broadcast %broadcast_in_dim3A_5 : i32 to vector<256x4xi32>
    %scan3A = arith.constant 0 : i32
    %scan3A_7 = arith.constant 8 : i32
    %scan3A_8 = arith.addi %scan3A, %scan3A_7 : i32
    %scan3A_9 = arith.constant 1 : i32
    %scan3A_10:2 = scf.for %scan3A_26 = %scan3A to %scan3A_8 step %scan3A_9 iter_args(%scan3A_27 = %broadcast_in_dim3A_4, %scan3A_28 = %broadcast_in_dim3A_6) -> (vector<256x4xf32>, vector<256x4xi32>)  : i32 {
      %mul3A_29 = arith.constant 2048 : i32
      %mul3A_30 = arith.muli %scan3A_26, %mul3A_29 : i32
      %get3A_31 = arith.index_cast %mul3A_30 : i32 to index
      %get3A_32 = arith.constant 0 : index
      %get3A_33 = vector.load %arg2[%get3A_31, %get3A_32] : memref<16384x64xf32, #tpu.memory_space<vmem>>, vector<2048x64xf32>
      %mul3A_34 = arith.mulf %get3A_33, %get3A_33 : vector<2048x64xf32>
      %reduce_sum3A_35 = arith.constant dense<0.000000e+00> : vector<2048xf32>
      %reduce_sum3A_36 = vector.multi_reduction <add>, %mul3A_34, %reduce_sum3A_35 [1] : vector<2048x64xf32> to vector<2048xf32>
      %broadcast_in_dim3A_37 = vector.shape_cast %reduce_sum3A_36 : vector<2048xf32> to vector<1x2048xf32>
      %dot_general3A = arith.constant dense<0.000000e+00> : vector<256x2048xf32>
      %dot_general3A_38 = tpu.matmul %get3A_1, %get3A_33, %dot_general3A {dimension_numbers = #tpu.dot_dimension_numbers<[1], [1], [0], [0], [0, 0, 1, 0], [], []>, transpose_lhs_hint = false} : vector<256x64xf32>, vector<2048x64xf32>, vector<256x2048xf32> -> vector<256x2048xf32>
      %add3A_39 = vector.broadcast %broadcast_in_dim3A : vector<256x1xf32> to vector<256x2048xf32>
      %add3A_40 = vector.broadcast %broadcast_in_dim3A_37 : vector<1x2048xf32> to vector<256x2048xf32>
      %add3A_41 = arith.addf %add3A_39, %add3A_40 : vector<256x2048xf32>
      %mul3A_42 = arith.constant 2.000000e+00 : f32
      %mul3A_43 = vector.broadcast %mul3A_42 : f32 to vector<256x2048xf32>
      %mul3A_44 = arith.mulf %mul3A_43, %dot_general3A_38 : vector<256x2048xf32>
      %sub3A = arith.subf %add3A_41, %mul3A_44 : vector<256x2048xf32>
      %max3A = arith.constant 0.000000e+00 : f32
      %max3A_45 = vector.broadcast %max3A : f32 to vector<256x2048xf32>
      %max3A_46 = arith.maximumf %sub3A, %max3A_45 : vector<256x2048xf32>
      %iota3A = tpu.iota {dimensions = array<i32: 1>} : vector<256x2048xi32>
      %reduce_min3A = arith.constant dense<0x7F800000> : vector<256xf32>
      %reduce_min3A_47 = vector.multi_reduction <minimumf>, %max3A_46, %reduce_min3A [1] : vector<256x2048xf32> to vector<256xf32>
      %broadcast_in_dim3A_48 = vector.shape_cast %reduce_min3A_47 : vector<256xf32> to vector<256x1xf32>
      %le3A = vector.broadcast %broadcast_in_dim3A_48 : vector<256x1xf32> to vector<256x2048xf32>
      %le3A_49 = arith.cmpf ole, %max3A_46, %le3A : vector<256x2048xf32>
      %jit3A = arith.constant 16384 : i32
      %broadcast_in_dim3A_50 = vector.broadcast %jit3A : i32 to vector<256x2048xi32>
      %select_n3A = arith.select %le3A_49, %iota3A, %broadcast_in_dim3A_50 : vector<256x2048xi1>, vector<256x2048xi32>
      %reduce_min3A_51 = arith.constant dense<2147483647> : vector<256xi32>
      %reduce_min3A_52 = vector.multi_reduction <minsi>, %select_n3A, %reduce_min3A_51 [1] : vector<256x2048xi32> to vector<256xi32>
      %broadcast_in_dim3A_53 = vector.shape_cast %reduce_min3A_52 : vector<256xi32> to vector<256x1xi32>
      %mul3A_54 = arith.constant 2048 : i32
      %mul3A_55 = arith.muli %scan3A_26, %mul3A_54 : i32
      %add3A_56 = vector.broadcast %mul3A_55 : i32 to vector<256x1xi32>
      %add3A_57 = arith.addi %broadcast_in_dim3A_53, %add3A_56 : vector<256x1xi32>
      %eq3A = vector.broadcast %broadcast_in_dim3A_53 : vector<256x1xi32> to vector<256x2048xi32>
      %eq3A_58 = arith.cmpi eq, %iota3A, %eq3A : vector<256x2048xi32>
      %jit3A_59 = arith.constant 0x7F800000 : f32
      %broadcast_in_dim3A_60 = vector.broadcast %jit3A_59 : f32 to vector<256x2048xf32>
      %select_n3A_61 = arith.select %eq3A_58, %broadcast_in_dim3A_60, %max3A_46 : vector<256x2048xi1>, vector<256x2048xf32>
      %reduce_min3A_62 = arith.constant dense<0x7F800000> : vector<256xf32>
      %reduce_min3A_63 = vector.multi_reduction <minimumf>, %select_n3A_61, %reduce_min3A_62 [1] : vector<256x2048xf32> to vector<256xf32>
      %broadcast_in_dim3A_64 = vector.shape_cast %reduce_min3A_63 : vector<256xf32> to vector<256x1xf32>
      %le3A_65 = vector.broadcast %broadcast_in_dim3A_64 : vector<256x1xf32> to vector<256x2048xf32>
      %le3A_66 = arith.cmpf ole, %select_n3A_61, %le3A_65 : vector<256x2048xf32>
      %jit3A_67 = arith.constant 16384 : i32
      %broadcast_in_dim3A_68 = vector.broadcast %jit3A_67 : i32 to vector<256x2048xi32>
      %select_n3A_69 = arith.select %le3A_66, %iota3A, %broadcast_in_dim3A_68 : vector<256x2048xi1>, vector<256x2048xi32>
      %reduce_min3A_70 = arith.constant dense<2147483647> : vector<256xi32>
      %reduce_min3A_71 = vector.multi_reduction <minsi>, %select_n3A_69, %reduce_min3A_70 [1] : vector<256x2048xi32> to vector<256xi32>
      %broadcast_in_dim3A_72 = vector.shape_cast %reduce_min3A_71 : vector<256xi32> to vector<256x1xi32>
      %mul3A_73 = arith.constant 2048 : i32
      %mul3A_74 = arith.muli %scan3A_26, %mul3A_73 : i32
      %add3A_75 = vector.broadcast %mul3A_74 : i32 to vector<256x1xi32>
      %add3A_76 = arith.addi %broadcast_in_dim3A_72, %add3A_75 : vector<256x1xi32>
      %eq3A_77 = vector.broadcast %broadcast_in_dim3A_72 : vector<256x1xi32> to vector<256x2048xi32>
      %eq3A_78 = arith.cmpi eq, %iota3A, %eq3A_77 : vector<256x2048xi32>
      %jit3A_79 = arith.constant 0x7F800000 : f32
      %broadcast_in_dim3A_80 = vector.broadcast %jit3A_79 : f32 to vector<256x2048xf32>
      %select_n3A_81 = arith.select %eq3A_78, %broadcast_in_dim3A_80, %select_n3A_61 : vector<256x2048xi1>, vector<256x2048xf32>
      %reduce_min3A_82 = arith.constant dense<0x7F800000> : vector<256xf32>
      %reduce_min3A_83 = vector.multi_reduction <minimumf>, %select_n3A_81, %reduce_min3A_82 [1] : vector<256x2048xf32> to vector<256xf32>
      %broadcast_in_dim3A_84 = vector.shape_cast %reduce_min3A_83 : vector<256xf32> to vector<256x1xf32>
      %le3A_85 = vector.broadcast %broadcast_in_dim3A_84 : vector<256x1xf32> to vector<256x2048xf32>
      %le3A_86 = arith.cmpf ole, %select_n3A_81, %le3A_85 : vector<256x2048xf32>
      %jit3A_87 = arith.constant 16384 : i32
      %broadcast_in_dim3A_88 = vector.broadcast %jit3A_87 : i32 to vector<256x2048xi32>
      %select_n3A_89 = arith.select %le3A_86, %iota3A, %broadcast_in_dim3A_88 : vector<256x2048xi1>, vector<256x2048xi32>
      %reduce_min3A_90 = arith.constant dense<2147483647> : vector<256xi32>
      %reduce_min3A_91 = vector.multi_reduction <minsi>, %select_n3A_89, %reduce_min3A_90 [1] : vector<256x2048xi32> to vector<256xi32>
      %broadcast_in_dim3A_92 = vector.shape_cast %reduce_min3A_91 : vector<256xi32> to vector<256x1xi32>
      %mul3A_93 = arith.constant 2048 : i32
      %mul3A_94 = arith.muli %scan3A_26, %mul3A_93 : i32
      %add3A_95 = vector.broadcast %mul3A_94 : i32 to vector<256x1xi32>
      %add3A_96 = arith.addi %broadcast_in_dim3A_92, %add3A_95 : vector<256x1xi32>
      %eq3A_97 = vector.broadcast %broadcast_in_dim3A_92 : vector<256x1xi32> to vector<256x2048xi32>
      %eq3A_98 = arith.cmpi eq, %iota3A, %eq3A_97 : vector<256x2048xi32>
      %jit3A_99 = arith.constant 0x7F800000 : f32
      %broadcast_in_dim3A_100 = vector.broadcast %jit3A_99 : f32 to vector<256x2048xf32>
      %select_n3A_101 = arith.select %eq3A_98, %broadcast_in_dim3A_100, %select_n3A_81 : vector<256x2048xi1>, vector<256x2048xf32>
      %reduce_min3A_102 = arith.constant dense<0x7F800000> : vector<256xf32>
      %reduce_min3A_103 = vector.multi_reduction <minimumf>, %select_n3A_101, %reduce_min3A_102 [1] : vector<256x2048xf32> to vector<256xf32>
      %broadcast_in_dim3A_104 = vector.shape_cast %reduce_min3A_103 : vector<256xf32> to vector<256x1xf32>
      %le3A_105 = vector.broadcast %broadcast_in_dim3A_104 : vector<256x1xf32> to vector<256x2048xf32>
      %le3A_106 = arith.cmpf ole, %select_n3A_101, %le3A_105 : vector<256x2048xf32>
      %jit3A_107 = arith.constant 16384 : i32
      %broadcast_in_dim3A_108 = vector.broadcast %jit3A_107 : i32 to vector<256x2048xi32>
      %select_n3A_109 = arith.select %le3A_106, %iota3A, %broadcast_in_dim3A_108 : vector<256x2048xi1>, vector<256x2048xi32>
      %reduce_min3A_110 = arith.constant dense<2147483647> : vector<256xi32>
      %reduce_min3A_111 = vector.multi_reduction <minsi>, %select_n3A_109, %reduce_min3A_110 [1] : vector<256x2048xi32> to vector<256xi32>
      %broadcast_in_dim3A_112 = vector.shape_cast %reduce_min3A_111 : vector<256xi32> to vector<256x1xi32>
      %mul3A_113 = arith.constant 2048 : i32
      %mul3A_114 = arith.muli %scan3A_26, %mul3A_113 : i32
      %add3A_115 = vector.broadcast %mul3A_114 : i32 to vector<256x1xi32>
      %add3A_116 = arith.addi %broadcast_in_dim3A_112, %add3A_115 : vector<256x1xi32>
      %concatenate3A = tpu.concatenate %scan3A_27, %broadcast_in_dim3A_48, %broadcast_in_dim3A_64, %broadcast_in_dim3A_84, %broadcast_in_dim3A_104 in 1 : vector<256x4xf32>, vector<256x1xf32>, vector<256x1xf32>, vector<256x1xf32>, vector<256x1xf32> -> vector<256x8xf32>
      %concatenate3A_117 = tpu.concatenate %scan3A_28, %add3A_57, %add3A_76, %add3A_96, %add3A_116 in 1 : vector<256x4xi32>, vector<256x1xi32>, vector<256x1xi32>, vector<256x1xi32>, vector<256x1xi32> -> vector<256x8xi32>
      %iota3A_118 = tpu.iota {dimensions = array<i32: 1>} : vector<256x8xi32>
      %reduce_min3A_119 = arith.constant dense<0x7F800000> : vector<256xf32>
      %reduce_min3A_120 = vector.multi_reduction <minimumf>, %concatenate3A, %reduce_min3A_119 [1] : vector<256x8xf32> to vector<256xf32>
      %broadcast_in_dim3A_121 = vector.shape_cast %reduce_min3A_120 : vector<256xf32> to vector<256x1xf32>
      %le3A_122 = vector.broadcast %broadcast_in_dim3A_121 : vector<256x1xf32> to vector<256x8xf32>
      %le3A_123 = arith.cmpf ole, %concatenate3A, %le3A_122 : vector<256x8xf32>
      %jit3A_124 = arith.constant 8 : i32
      %broadcast_in_dim3A_125 = vector.broadcast %jit3A_124 : i32 to vector<256x8xi32>
      %select_n3A_126 = arith.select %le3A_123, %iota3A_118, %broadcast_in_dim3A_125 : vector<256x8xi1>, vector<256x8xi32>
      %reduce_min3A_127 = arith.constant dense<2147483647> : vector<256xi32>
      %reduce_min3A_128 = vector.multi_reduction <minsi>, %select_n3A_126, %reduce_min3A_127 [1] : vector<256x8xi32> to vector<256xi32>
      %broadcast_in_dim3A_129 = vector.shape_cast %reduce_min3A_128 : vector<256xi32> to vector<256x1xi32>
      %eq3A_130 = vector.broadcast %broadcast_in_dim3A_129 : vector<256x1xi32> to vector<256x8xi32>
      %eq3A_131 = arith.cmpi eq, %iota3A_118, %eq3A_130 : vector<256x8xi32>
      %jit3A_132 = arith.constant 0 : i32
      %broadcast_in_dim3A_133 = vector.broadcast %jit3A_132 : i32 to vector<256x8xi32>
      %select_n3A_134 = arith.select %eq3A_131, %concatenate3A_117, %broadcast_in_dim3A_133 : vector<256x8xi1>, vector<256x8xi32>
      %reduce_sum3A_135 = arith.constant dense<0> : vector<256xi32>
      %reduce_sum3A_136 = vector.multi_reduction <add>, %select_n3A_134, %reduce_sum3A_135 [1] : vector<256x8xi32> to vector<256xi32>
      %broadcast_in_dim3A_137 = vector.shape_cast %reduce_sum3A_136 : vector<256xi32> to vector<256x1xi32>
      %eq3A_138 = vector.broadcast %broadcast_in_dim3A_129 : vector<256x1xi32> to vector<256x8xi32>
      %eq3A_139 = arith.cmpi eq, %iota3A_118, %eq3A_138 : vector<256x8xi32>
      %jit3A_140 = arith.constant 0x7F800000 : f32
      %broadcast_in_dim3A_141 = vector.broadcast %jit3A_140 : f32 to vector<256x8xf32>
      %select_n3A_142 = arith.select %eq3A_139, %broadcast_in_dim3A_141, %concatenate3A : vector<256x8xi1>, vector<256x8xf32>
      %reduce_min3A_143 = arith.constant dense<0x7F800000> : vector<256xf32>
      %reduce_min3A_144 = vector.multi_reduction <minimumf>, %select_n3A_142, %reduce_min3A_143 [1] : vector<256x8xf32> to vector<256xf32>
      %broadcast_in_dim3A_145 = vector.shape_cast %reduce_min3A_144 : vector<256xf32> to vector<256x1xf32>
      %le3A_146 = vector.broadcast %broadcast_in_dim3A_145 : vector<256x1xf32> to vector<256x8xf32>
      %le3A_147 = arith.cmpf ole, %select_n3A_142, %le3A_146 : vector<256x8xf32>
      %jit3A_148 = arith.constant 8 : i32
      %broadcast_in_dim3A_149 = vector.broadcast %jit3A_148 : i32 to vector<256x8xi32>
      %select_n3A_150 = arith.select %le3A_147, %iota3A_118, %broadcast_in_dim3A_149 : vector<256x8xi1>, vector<256x8xi32>
      %reduce_min3A_151 = arith.constant dense<2147483647> : vector<256xi32>
      %reduce_min3A_152 = vector.multi_reduction <minsi>, %select_n3A_150, %reduce_min3A_151 [1] : vector<256x8xi32> to vector<256xi32>
      %broadcast_in_dim3A_153 = vector.shape_cast %reduce_min3A_152 : vector<256xi32> to vector<256x1xi32>
      %eq3A_154 = vector.broadcast %broadcast_in_dim3A_153 : vector<256x1xi32> to vector<256x8xi32>
      %eq3A_155 = arith.cmpi eq, %iota3A_118, %eq3A_154 : vector<256x8xi32>
      %jit3A_156 = arith.constant 0 : i32
      %broadcast_in_dim3A_157 = vector.broadcast %jit3A_156 : i32 to vector<256x8xi32>
      %select_n3A_158 = arith.select %eq3A_155, %concatenate3A_117, %broadcast_in_dim3A_157 : vector<256x8xi1>, vector<256x8xi32>
      %reduce_sum3A_159 = arith.constant dense<0> : vector<256xi32>
      %reduce_sum3A_160 = vector.multi_reduction <add>, %select_n3A_158, %reduce_sum3A_159 [1] : vector<256x8xi32> to vector<256xi32>
      %broadcast_in_dim3A_161 = vector.shape_cast %reduce_sum3A_160 : vector<256xi32> to vector<256x1xi32>
      %eq3A_162 = vector.broadcast %broadcast_in_dim3A_153 : vector<256x1xi32> to vector<256x8xi32>
      %eq3A_163 = arith.cmpi eq, %iota3A_118, %eq3A_162 : vector<256x8xi32>
      %jit3A_164 = arith.constant 0x7F800000 : f32
      %broadcast_in_dim3A_165 = vector.broadcast %jit3A_164 : f32 to vector<256x8xf32>
      %select_n3A_166 = arith.select %eq3A_163, %broadcast_in_dim3A_165, %select_n3A_142 : vector<256x8xi1>, vector<256x8xf32>
      %reduce_min3A_167 = arith.constant dense<0x7F800000> : vector<256xf32>
      %reduce_min3A_168 = vector.multi_reduction <minimumf>, %select_n3A_166, %reduce_min3A_167 [1] : vector<256x8xf32> to vector<256xf32>
      %broadcast_in_dim3A_169 = vector.shape_cast %reduce_min3A_168 : vector<256xf32> to vector<256x1xf32>
      %le3A_170 = vector.broadcast %broadcast_in_dim3A_169 : vector<256x1xf32> to vector<256x8xf32>
      %le3A_171 = arith.cmpf ole, %select_n3A_166, %le3A_170 : vector<256x8xf32>
      %jit3A_172 = arith.constant 8 : i32
      %broadcast_in_dim3A_173 = vector.broadcast %jit3A_172 : i32 to vector<256x8xi32>
      %select_n3A_174 = arith.select %le3A_171, %iota3A_118, %broadcast_in_dim3A_173 : vector<256x8xi1>, vector<256x8xi32>
      %reduce_min3A_175 = arith.constant dense<2147483647> : vector<256xi32>
      %reduce_min3A_176 = vector.multi_reduction <minsi>, %select_n3A_174, %reduce_min3A_175 [1] : vector<256x8xi32> to vector<256xi32>
      %broadcast_in_dim3A_177 = vector.shape_cast %reduce_min3A_176 : vector<256xi32> to vector<256x1xi32>
      %eq3A_178 = vector.broadcast %broadcast_in_dim3A_177 : vector<256x1xi32> to vector<256x8xi32>
      %eq3A_179 = arith.cmpi eq, %iota3A_118, %eq3A_178 : vector<256x8xi32>
      %jit3A_180 = arith.constant 0 : i32
      %broadcast_in_dim3A_181 = vector.broadcast %jit3A_180 : i32 to vector<256x8xi32>
      %select_n3A_182 = arith.select %eq3A_179, %concatenate3A_117, %broadcast_in_dim3A_181 : vector<256x8xi1>, vector<256x8xi32>
      %reduce_sum3A_183 = arith.constant dense<0> : vector<256xi32>
      %reduce_sum3A_184 = vector.multi_reduction <add>, %select_n3A_182, %reduce_sum3A_183 [1] : vector<256x8xi32> to vector<256xi32>
      %broadcast_in_dim3A_185 = vector.shape_cast %reduce_sum3A_184 : vector<256xi32> to vector<256x1xi32>
      %eq3A_186 = vector.broadcast %broadcast_in_dim3A_177 : vector<256x1xi32> to vector<256x8xi32>
      %eq3A_187 = arith.cmpi eq, %iota3A_118, %eq3A_186 : vector<256x8xi32>
      %jit3A_188 = arith.constant 0x7F800000 : f32
      %broadcast_in_dim3A_189 = vector.broadcast %jit3A_188 : f32 to vector<256x8xf32>
      %select_n3A_190 = arith.select %eq3A_187, %broadcast_in_dim3A_189, %select_n3A_166 : vector<256x8xi1>, vector<256x8xf32>
      %reduce_min3A_191 = arith.constant dense<0x7F800000> : vector<256xf32>
      %reduce_min3A_192 = vector.multi_reduction <minimumf>, %select_n3A_190, %reduce_min3A_191 [1] : vector<256x8xf32> to vector<256xf32>
      %broadcast_in_dim3A_193 = vector.shape_cast %reduce_min3A_192 : vector<256xf32> to vector<256x1xf32>
      %le3A_194 = vector.broadcast %broadcast_in_dim3A_193 : vector<256x1xf32> to vector<256x8xf32>
      %le3A_195 = arith.cmpf ole, %select_n3A_190, %le3A_194 : vector<256x8xf32>
      %jit3A_196 = arith.constant 8 : i32
      %broadcast_in_dim3A_197 = vector.broadcast %jit3A_196 : i32 to vector<256x8xi32>
      %select_n3A_198 = arith.select %le3A_195, %iota3A_118, %broadcast_in_dim3A_197 : vector<256x8xi1>, vector<256x8xi32>
      %reduce_min3A_199 = arith.constant dense<2147483647> : vector<256xi32>
      %reduce_min3A_200 = vector.multi_reduction <minsi>, %select_n3A_198, %reduce_min3A_199 [1] : vector<256x8xi32> to vector<256xi32>
      %broadcast_in_dim3A_201 = vector.shape_cast %reduce_min3A_200 : vector<256xi32> to vector<256x1xi32>
      %eq3A_202 = vector.broadcast %broadcast_in_dim3A_201 : vector<256x1xi32> to vector<256x8xi32>
      %eq3A_203 = arith.cmpi eq, %iota3A_118, %eq3A_202 : vector<256x8xi32>
      %jit3A_204 = arith.constant 0 : i32
      %broadcast_in_dim3A_205 = vector.broadcast %jit3A_204 : i32 to vector<256x8xi32>
      %select_n3A_206 = arith.select %eq3A_203, %concatenate3A_117, %broadcast_in_dim3A_205 : vector<256x8xi1>, vector<256x8xi32>
      %reduce_sum3A_207 = arith.constant dense<0> : vector<256xi32>
      %reduce_sum3A_208 = vector.multi_reduction <add>, %select_n3A_206, %reduce_sum3A_207 [1] : vector<256x8xi32> to vector<256xi32>
      %broadcast_in_dim3A_209 = vector.shape_cast %reduce_sum3A_208 : vector<256xi32> to vector<256x1xi32>
      %concatenate3A_210 = tpu.concatenate %broadcast_in_dim3A_121, %broadcast_in_dim3A_145, %broadcast_in_dim3A_169, %broadcast_in_dim3A_193 in 1 : vector<256x1xf32>, vector<256x1xf32>, vector<256x1xf32>, vector<256x1xf32> -> vector<256x4xf32>
      %concatenate3A_211 = tpu.concatenate %broadcast_in_dim3A_137, %broadcast_in_dim3A_161, %broadcast_in_dim3A_185, %broadcast_in_dim3A_209 in 1 : vector<256x1xi32>, vector<256x1xi32>, vector<256x1xi32>, vector<256x1xi32> -> vector<256x4xi32>
      scf.yield %concatenate3A_210, %concatenate3A_211 : vector<256x4xf32>, vector<256x4xi32>
    }
    %scan3A_11 = arith.constant 8 : i32
    %sqrt3A = math.sqrt %scan3A_10#0 : vector<256x4xf32>
    %add3A = arith.constant 9.99999997E-7 : f32
    %add3A_12 = vector.broadcast %add3A : f32 to vector<256x4xf32>
    %add3A_13 = arith.addf %sqrt3A, %add3A_12 : vector<256x4xf32>
    %div3A = arith.constant 1.000000e+00 : f32
    %div3A_14 = vector.broadcast %div3A : f32 to vector<256x4xf32>
    %div3A_15 = arith.divf %div3A_14, %add3A_13 : vector<256x4xf32>
    %reduce_sum3A_16 = arith.constant dense<0.000000e+00> : vector<256xf32>
    %reduce_sum3A_17 = vector.multi_reduction <add>, %div3A_15, %reduce_sum3A_16 [1] : vector<256x4xf32> to vector<256xf32>
    %broadcast_in_dim3A_18 = vector.shape_cast %reduce_sum3A_17 : vector<256xf32> to vector<256x1xf32>
    %div3A_19 = vector.broadcast %broadcast_in_dim3A_18 : vector<256x1xf32> to vector<256x4xf32>
    %div3A_20 = arith.divf %div3A_15, %div3A_19 : vector<256x4xf32>
    %swap3A = arith.constant 0 : index
    %swap3A_21 = arith.constant 0 : index
    %swap3A_22 = vector.load %arg3[%swap3A, %swap3A_21] : memref<256x4xi32, #tpu.memory_space<vmem>>, vector<256x4xi32>
    tpu.vector_store %arg3[%swap3A, %swap3A_21], %scan3A_10#1 {strides = array<i32>} : memref<256x4xi32, #tpu.memory_space<vmem>>, vector<256x4xi32>,
    %swap3A_23 = arith.constant 0 : index
    %swap3A_24 = arith.constant 0 : index
    %swap3A_25 = vector.load %arg4[%swap3A_23, %swap3A_24] : memref<256x4xf32, #tpu.memory_space<vmem>>, vector<256x4xf32>
    tpu.vector_store %arg4[%swap3A_23, %swap3A_24], %div3A_20 {strides = array<i32>} : memref<256x4xf32, #tpu.memory_space<vmem>>, vector<256x4xf32>,
    return
  }
  func.func @transform_0(%arg0: i32) -> (i32, i32) {
    %c0_i32 = arith.constant 0 : i32
    %c0_i32_0 = arith.constant 0 : i32
    return %arg0, %c0_i32 : i32, i32
  }
  func.func @transform_1(%arg0: i32) -> (i32, i32) {
    %c0_i32 = arith.constant 0 : i32
    %c0_i32_0 = arith.constant 0 : i32
    %c0_i32_1 = arith.constant 0 : i32
    return %c0_i32, %c0_i32_0 : i32, i32
  }
  func.func @transform_2(%arg0: i32) -> (i32, i32) {
    %c0_i32 = arith.constant 0 : i32
    %c0_i32_0 = arith.constant 0 : i32
    return %arg0, %c0_i32 : i32, i32
  }
  func.func @transform_3(%arg0: i32) -> (i32, i32) {
    %c0_i32 = arith.constant 0 : i32
    %c0_i32_0 = arith.constant 0 : i32
    return %arg0, %c0_i32 : i32, i32
  }
}

</mosaic_0001>

<sc_bundles>
// kernel: kernel.4.cloned.1.call-start
scs
__scs_entry_jumppad:
0x0: {  	(pc) =	sbr.rel $0x88, $3  }
0x1: {  	(tag) =	ssettag $0x0;
	lr =	simm.s32 $0x1  }
0x2: {  	[smem:$0x3F9E] =	sst lr;
	_ =	strace $0xD0000000  }
0x3: {  	_ = 	snop  }
0x4: {  	_ = 	snop  }
0x5: {  	_ = 	snop  }
0x6: {  	_ = 	snop  }
0x7: {  	_ = 	snop  }
__scs_overlays_trampoline_lowered:
0x8: {  	[smem:$0x3FAD] =	sst s0  }
0x9: {  	[smem:$0x3FAE] =	sst s1  }
0xa: {  	[smem:$0x3FAF] =	sst s2  }
0xb: {  	[smem:$0x3FB0] =	sst s3  }
0xc: {  	[smem:$0x3FB1] =	sst s4  }
0xd: {  	[smem:$0x3FB2] =	sst s5  }
0xe: {  	[smem:$0x3FB3] =	sst s6  }
0xf: {  	[smem:$0x3FB4] =	sst s7  }
0x10: {  	[smem:$0x3FB5] =	sst s8  }
0x11: {  	[smem:$0x3FB6] =	sst s9;
	s0 =	simm.s32 @!p0 $0x0  }
0x12: {  	s1 =	sld [smem:$0x3F9C];
	s0 =	simm.s32 @p0 $0x1  }
0x13: {  	[smem:$0x3FB7] =	sst s0;
	s0 =	simm.s32 @!p1 $0x0  }
0x14: {  	s2 =	sld [smem:$0x3F9B];
	s0 =	simm.s32 @p1 $0x1  }
0x15: {  	[smem:$0x3FB8] =	sst s0;
	s0 =	simm.s32 @!p2 $0x0  }
0x16: {  	s3 =	sld [smem:$0x3FDB];
	s0 =	simm.s32 @p2 $0x1  }
0x17: {  	s4 =	simm.s32 $0x1BF5;
	[smem:$0x3FBA] =	sst s0  }
0x18: {  	s0 =	sld [smem:$0x3F9D];
	_ =	swait.ge [sflag:s4], $0x0  }
0x19: {  	s7 =	sld [smem:$0x3F9E]  }
0x1a: {  	s8 =	sadd.s32 $0xFFFFE003, lr  }
0x1b: {  	s9 =	sadd.s32 $0xFFFFFEF7, lr;
	s5 =	simm.s32 $0xFFFFFFFF;
	p2 =	slt.u32 s8, $0xFFFFF086  }
0x1c: {  	p1 =	slt.u32 s9, $0xF7A;
	s5 =	simm.s32 @!p2 $0x0  }
0x1d: {  	s5 =	simm.s32 @p1 $0x1;
	p0 =	seq.s32 s7, s2  }
0x1e: {  	s7 =	smul.u32 @!p0 $0xF7A, s2;
	p2 =	seq.s32 @!p0 s5, $0x0  }
0x1f: {  	s9 =	smul.u32 $0xF7A, s1;
	s8 =	simm.s32 @!p0 $0x1BF5;
	p2 =	por !p2, p0  }
0x20: {  	[sflag:s8] =	ssyncset.s32 @!p0 $0xFFFFF086;
	s6 =	sadd.s32 @!p0 s3, s7;
	s7 =	simm.s32 @!p0 $0x108  }
0x21: {  	s3 =	sadd.s32 s3, s9;
	s6 =	sadd.s32 @!p0 $0x88, s6;
	s7 =	simm.s32 @p2 $0x1082  }
0x22: {  	[simem:s7], [sflag:s8] =	dma.local @!p0 [hbm:s6], $0xF7A  }
0x23: {  	s9 =	sor.u32 $0xD0000000, s2;
	s6 =	simm.s32 $0x108;
	_ =	swait.ge @!p0 [sflag:s8], $0x0  }
0x24: {  	s3 =	sadd.s32 $0x88, s3;
	s6 =	simm.s32 @!p1 $0x1082;
	[sflag:s4] =	ssyncset.s32 $0xFFFFF086  }
0x25: {  	[simem:s6], [sflag:s4] =	dma.local [hbm:s3], $0xF7A  }
0x26: {  	[smem:$0x3F9E] =	sst s1;
	(tag) =	ssettag s2;
	_ =	strace s9  }
0x27: {  	s1 =	sld [smem:$0x3FAE]  }
0x28: {  	s2 =	sld [smem:$0x3FAF]  }
0x29: {  	s4 =	sld [smem:$0x3FB1]  }
0x2a: {  	p0 =	seq.s32 s5, $0x0;
	s5 =	sld [smem:$0x3FB2]  }
0x2b: {  	s6 =	sld [smem:$0x3FB3]  }
0x2c: {  	s7 =	sld [smem:$0x3FB4]  }
0x2d: {  	s3 =	simm.s32 $0x108;
	s8 =	sld [smem:$0x3FB5]  }
0x2e: {  	s3 =	simm.s32 @!p0 $0x1082;
	s9 =	sld [smem:$0x3FB6]  }
0x2f: {  	lr =	sadd.s32 s0, s3;
	s0 =	sld [smem:$0x3FAD]  }
0x30: {  	s3 =	sld [smem:$0x3FB0]  }
0x31: {  	[smem:$0x3FB9] =	sst s10  }
0x32: {  	s10 =	sld [smem:$0x3FB7];
	_ =	sdelay $0x3  }
0x33: {  	p0 =	seq.s32 s10, $0x1;
	s10 =	sld [smem:$0x3FB9];
	_ =	sdelay $0x3  }
0x34: {  	[smem:$0x3FB9] =	sst s10  }
0x35: {  	s10 =	sld [smem:$0x3FB8];
	_ =	sdelay $0x3  }
0x36: {  	p1 =	seq.s32 s10, $0x1;
	s10 =	sld [smem:$0x3FB9];
	_ =	sdelay $0x3  }
0x37: {  	[smem:$0x3FB9] =	sst s10  }
0x38: {  	s10 =	sld [smem:$0x3FBA]  }
0x39: {  	_ = 	snop;
	(pc) =	sbr.ind lr, $3  }
0x3a: {  	_ = 	snop  }
0x3b: {  	_ = 	snop  }
0x3c: {  	p2 =	seq.s32 s10, $0x1;
	s10 =	sld [smem:$0x3FB9]  }
0x3d: {  	_ =	shalt  }
0x3e: {  	_ =	shalt  }
0x3f: {  	_ =	shalt  }
0x40: {  	_ =	shalt  }
0x41: {  	_ =	shalt  }
0x42: {  	_ =	shalt  }
0x43: {  	_ =	shalt  }
0x44: {  	_ =	shalt  }
0x45: {  	_ =	shalt  }
0x46: {  	_ =	shalt  }
0x47: {  	_ =	shalt  }
0x48: {  	_ =	shalt  }
0x49: {  	_ =	shalt  }
0x4a: {  	_ =	shalt  }
0x4b: {  	_ =	shalt  }
0x4c: {  	_ =	shalt  }
0x4d: {  	_ =	shalt  }
0x4e: {  	_ =	shalt  }
0x4f: {  	_ =	shalt  }
0x50: {  	_ =	shalt  }
0x51: {  	_ =	shalt  }
0x52: {  	_ =	shalt  }
0x53: {  	_ =	shalt  }
0x54: {  	_ =	shalt  }
0x55: {  	_ =	shalt  }
0x56: {  	_ =	shalt  }
0x57: {  	_ =	shalt  }
0x58: {  	_ =	shalt  }
0x59: {  	_ =	shalt  }
0x5a: {  	_ =	shalt  }
0x5b: {  	_ =	shalt  }
0x5c: {  	_ =	shalt  }
0x5d: {  	_ =	shalt  }
0x5e: {  	_ =	shalt  }
0x5f: {  	_ =	shalt  }
0x60: {  	_ =	shalt  }
0x61: {  	_ =	shalt  }
0x62: {  	_ =	shalt  }
0x63: {  	_ =	shalt  }
0x64: {  	_ =	shalt  }
0x65: {  	_ =	shalt  }
0x66: {  	_ =	shalt  }
0x67: {  	_ =	shalt  }
0x68: {  	_ =	shalt  }
0x69: {  	_ =	shalt  }
0x6a: {  	_ =	shalt  }
0x6b: {  	_ =	shalt  }
0x6c: {  	_ =	shalt  }
0x6d: {  	_ =	shalt  }
0x6e: {  	_ =	shalt  }
0x6f: {  	_ =	shalt  }
0x70: {  	_ =	shalt  }
0x71: {  	_ =	shalt  }
0x72: {  	_ =	shalt  }
0x73: {  	_ =	shalt  }
0x74: {  	_ =	shalt  }
0x75: {  	_ =	shalt  }
0x76: {  	_ =	shalt  }
0x77: {  	_ =	shalt  }
0x78: {  	_ =	shalt  }
0x79: {  	_ =	shalt  }
0x7a: {  	_ =	shalt  }
0x7b: {  	_ =	shalt  }
0x7c: {  	_ =	shalt  }
0x7d: {  	_ =	shalt  }
0x7e: {  	_ =	shalt  }
0x7f: {  	_ =	shalt  }
0x80: {  	_ =	shalt  }
0x81: {  	_ =	shalt  }
0x82: {  	_ =	shalt  }
0x83: {  	_ =	shalt  }
0x84: {  	_ =	shalt  }
0x85: {  	_ =	shalt  }
0x86: {  	_ =	shalt  }
0x87: {  	_ =	shalt  }
.Lfunc_end0:
.L_simem_size_0:
called_computation_lowered:
.L_overlay_start_0:
0x88: {  	s2 =	sld [smem:$0x3FD9]  }
0x89: {  	s3 =	sld [smem:$0x3FFE];
	_ =	sdelay $0x1  }
0x8a: {  	s1 =	srdreg.scid  }
0x8b: {  	s0 =	sand.u32 $0x1, s1  }
0x8c: {  	s17 =	sshll.u32 s0, $0xA;
	s2 =	sadd.s32 s3, s2  }
0x8d: {  	s2 =	sadd.s32 s2, s17  }
0x8e: {  	[smem:$0x3FC5] =	sst s2  }
0x8f: {  	_ = 	snop  }
0x90: {  	s2 =	sld [smem:$0x3FD0];
	(tm) =	ssettm $0x1  }
0x91: {  	s18 =	sld [smem:$0x3FFB];
	_ =	sdelay $0x3  }
0x92: {  	_ =	strace s18  }
0x93: {  	s3 =	sld [smem:$0x3FFC];
	_ =	sdelay $0x3  }
0x94: {  	_ =	strace s3  }
0x95: {  	s3 =	sld [smem:$0x3FFD];
	_ =	sdelay $0x3  }
0x96: {  	_ =	strace s3  }
0x97: {  	_ =	strace $0x8FFFFFFF  }
0x98: {  	s19 =	sld [smem:$0x3FDB];
	_ =	sdelay $0x1  }
0x99: {  	s4 =	simm.s32 $_scs_section_size  }
0x9a: {  	s5 =	simm.s32 $_size__tile_overlayer_lowered;
	s6 =	simm.s32 $_tile_overlayer_lowered  }
0x9b: {  	s22 =	simm.s32 $0x1BFF;
	s21 =	sshll.u32 s6, $0x1;
	s3 =	sadd.s32 s4, s19  }
0x9c: {  	s7 =	simm.s32 $0x0;
	s20 =	sshll.u32 s5, $0x1;
	s5 =	sadd.s32 s21, s3  }
0x9d: {  	[timem:s7], [sflag:s22] =	dma.local [hbm:s5], s20  }
0x9e: {  	_ =	swait.ge [sflag:s22], s20  }
0x9f: {  	s4 =	ssub.s32 $0x0, s20;
	[sflag:s22] =	ssyncset.done $0x0  }
0xa0: {  	[sflag:s22] =	ssyncadd.s32 s4;
	_ =	sdelay $0x1  }
0xa1: {  	s23 =	simm.s32 $0x1B8B  }
0xa2: {  	_ =	swait.ge [sflag:s23], $0x1  }
0xa3: {  	[sflag:s23] =	ssyncset.done $0x0  }
0xa4: {  	s25 =	simm.s32 $0x1B8E;
	s24 =	sld [smem:$0x3FFE];
	[sflag:s23] =	ssyncadd.s32 $0xFFFFFFFF  }
0xa5: {  	s26 =	simm.s32 $execute0_lowered;
	[smem:$0x3FD2] =	sst s25  }
0xa6: {  	s5 =	sshll.u32 s26, $0x1;
	_ =	strace $0x80000046;
	[dreg:$0x1] =	wrdreg $0xFFFFFFFF  }
0xa7: {  	s28 =	simm.s32 $_size_execute0_lowered;
	s3 =	sadd.s32 s3, s5;
	[dreg:$0x0] =	wrdreg $0x0  }
0xa8: {  	s5 =	sshll.u32 s28, $0x1;
	[dreg:$0x2] =	wrdreg s3  }
0xa9: {  	[dreg:$0x3] =	wrdreg s5  }
0xaa: {  	[dreg:$0x4] =	wrdreg $0xC0  }
0xab: {  	_ =	task [dreg:s7], $0x5FFFF  }
0xac: {  	[dreg:$0x1] =	wrdreg $0xFFFFFFFF  }
0xad: {  	[dreg:$0x0] =	wrdreg $0x60  }
0xae: {  	[dreg:$0x2] =	wrdreg s24  }
0xaf: {  	[dreg:$0x3] =	wrdreg s2  }
0xb0: {  	[dreg:$0x4] =	wrdreg $0x9  }
0xb1: {  	_ =	task.clear_ibuf [dreg:s7], $0x5FFFF;
	_ =	strace $0x90000046  }
0xb2: {  	s29 =	simm.s32 $0x9;
	_ =	strace $0x80000048  }
0xb3: {  	_ =	swait.ge [sflag:s29], $0x1  }
0xb4: {  	[sflag:s29] =	ssyncadd.s32 $0xFFFFFFFF  }
0xb5: {  	_ =	strace $0x90000048  }
0xb6: {  	_ =	sfence  }
0xb7: {  	s30 =	sld [smem:$0x0];
	_ =	sdelay $0x2  }
0xb8: {  	s31 =	sshll.u32 s1, $0xD;
	s1 =	sshrl.u32 s1, $0x2  }
0xb9: {  	s3 =	sand.u32 $0x4000, s31;
	s1 =	sadd.s32 s1, s30  }
0xba: {  	s0 =	sor.u32 s3, s0;
	s1 =	sshll.u32 s1, $0x11  }
0xbb: {  	s0 =	sor.u32 s1, s0  }
0xbc: {  	s0 =	sadd.s32 $0x8F2B, s0  }
0xbd: {  	[sflag:s0] =	ssyncadd.remote.s32 $0x1  }
0xbe: {  	_ =	sfence.sel $0xFFFF  }
0xbf: {  	[dreg:$0x0] =	wrdreg $0xFFFFFFFF;
	(pc) =	sbr.abs _section_cstart, $3  }
0xc0: {  	[dreg:$0x1] =	wrdreg $0xFFFFFFFF  }
0xc1: {  	_ =	task.clear_ibuf [dreg:s7], $0x2FFFF;
	_ =	strace $0x9FFFFFFF  }
0xc2: {  	(tm) =	ssettm $0x7FFFFFFF  }
0xc3: {  	_ =	shalt  }
tec
execute0_lowered:
.L_overlay_start_1:
0x0: {  	(tag) =	ssettag $0x1  }
0x1: {  	s0 =	rddreg [dreg:$0x0]  }
0x2: {  	s1 =	rddreg [dreg:$0x1]  }
0x3: {  	s4 =	simm.s32 $0x0;
	s2 =	srdreg.scid;
	s3 =	stileid.u32  }
0x4: {  	s23 =	simm.s32 $0x2;
	s29 =	simm.s32 $0x1;
	[smem:$0x7FF] =	sst s4  }
0x5: {  	s2 =	sand.u32 $0x1, s2;
	s3 =	sshll.u32 s3, $0x1;
	s8 =	sadd.s32 $0x11300, s0  }
0x6: {  	s9 =	sadd.s32 $0x11400, s0;
	s10 =	sadd.s32 $0x11500, s0;
	s11 =	sadd.s32 $0x11600, s0  }
0x7: {  	s12 =	sadd.s32 $0x11700, s0;
	s13 =	sadd.s32 $0x11800, s0;
	s14 =	sadd.s32 $0x11900, s0  }
0x8: {  	s15 =	sadd.s32 $0x11A00, s0;
	s16 =	sadd.s32 $0x11B00, s0;
	s17 =	sadd.s32 $0x11C00, s0  }
0x9: {  	s18 =	sadd.s32 $0x11D00, s0;
	s19 =	sadd.s32 $0x11E00, s0;
	s20 =	sadd.s32 $0x11F00, s0  }
0xa: {  	_ =	strace $0x80000047;
	s30 =	sor.u32 s2, s3;
	s3 =	sadd.s32 $0x11000, s0  }
0xb: {  	s2 =	ssub.s32 $0x2, s2;
	s5 =	sshll.u32 s30, $0x6;
	s6 =	sshll.u32 s30, $0x10  }
0xc: {  	s7 =	sshrl.u32 s2, $0x1;
	s4 =	sshll.u32 s30, $0xD;
	s5 =	sadd.s32 s5, s0  }
0xd: {  	s21 =	sadd.s32 s6, s0;
	s2 =	ssub.s32 s2, s7;
	s1 =	sadd.s32 s1, s4  }
0xe: {  	v0 =	vlaneseq.u32;
	s6 =	sadd.s32 $0x11100, s0;
	s5 =	sadd.s32 $0x10800, s5;
	[dreg:$0x4] =	wrdreg s1  }
0xf: {  	v1 =	vshrl.u32 v0, $0x3;
	s7 =	sadd.s32 $0x11200, s0;
	s31 =	smax.u32 s2, $0x1;
	[dreg:$0x3] =	wrdreg s5  }
0x10: {  	vm0 =	vmmov $0xffff;
	v0 =	vand.u32 $0x7, v0;
	v1 =	vmul.u32 $0x8, v1;
	s21 =	sadd.s32 $0x811000, s21;
	s1 =	simm.s32 $0x0;
	[dreg:$0x5] =	wrdreg s31  }
.LBB2_1:
0x11: {  	[dreg:$0x6] =	wrdreg s1  }
0x12: {  	s0 =	simm.s32 $0x0;
	s30 =	rddreg [dreg:$0x3]  }
0x13: {  	[tilespmem:s0], [sflag:$0x2] =	stream.linear.gather [hbm4b:s30+s0], $0x200, $0x38;
	[tilespmem:$0x1A200] =	vst v63  }
0x14: {  	_ =	swait.ge [sflag:s23], $0x200  }
0x15: {  	[sflag:s23] =	ssyncset.done $0x0  }
0x16: {  	s2 =	simm.s32 $0x200;
	s31 =	rddreg [dreg:$0x4];
	[sflag:s23] =	ssyncadd.s32 $0xFFFFFE00  }
0x17: {  	[tilespmem:s2], [sflag:$0x2] =	stream.linear.gather [hbm4b:s31+s0], $0x10000, $0x38;
	[tilespmem:$0x1A200] =	vst v63  }
0x18: {  	_ =	swait.ge [sflag:s23], $0x10000  }
0x19: {  	[sflag:s23] =	ssyncset.done $0x0  }
0x1a: {  	s1 =	simm.s32 $0x0;
	[sflag:s23] =	ssyncadd.s32 $0xFFFF0000  }
.LBB2_2:
0x1b: {  	s24 =	sshll.u32 s1, $0x5  }
0x1c: {  	s2 =	sshrl.u32 s24, $0x2  }
0x1d: {  	v2 =	vld.msk [tilespmem:s2+$0x0], $0xff;
	_ =	sdelay $0x4  }
0x1e: {  	v3 =	vshll.u32 v2, $0x5  }
0x1f: {  	v2 =	vand.u32 $0x7, v2;
	v3 =	vand.u32 $0xFFFFFF00, v3  }
0x20: {  	v2 =	vor.u32 v2, v3  }
0x21: {  	v2 =	vperm.xlane v2, v0;
	_ =	sdelay $0x1  }
0x22: {  	v2 =	vadd.s32 v1, v2;
	_ =	sdelay $0x3  }
0x23: {  	s4 =	simm.s32 $0x0;
	s0 =	simm.s32 $0x10200  }
0x24: {  	[tilespmem:s0], [sflag:$0x1] =	stream.indirect_vreg.gather [hbm4b:s3+s4], $0x80, v2, vm0, $0xb8;
	[tilespmem:$0x1A200] =	vst v63  }
0x25: {  	s26 =	simm.s32 $0x10A00  }
0x26: {  	[tilespmem:s26], [sflag:$0x1] =	stream.indirect_vreg.gather [hbm4b:s6+s4], $0x80, v2, vm0, $0xb8;
	[tilespmem:$0x1A200] =	vst v63  }
0x27: {  	s30 =	simm.s32 $0x11200  }
0x28: {  	[tilespmem:s30], [sflag:$0x1] =	stream.indirect_vreg.gather [hbm4b:s7+s4], $0x80, v2, vm0, $0xb8;
	[tilespmem:$0x1A200] =	vst v63  }
0x29: {  	s31 =	simm.s32 $0x11A00  }
0x2a: {  	[tilespmem:s31], [sflag:$0x1] =	stream.indirect_vreg.gather [hbm4b:s8+s4], $0x80, v2, vm0, $0xb8;
	[tilespmem:$0x1A200] =	vst v63  }
0x2b: {  	s2 =	simm.s32 $0x12200  }
0x2c: {  	[tilespmem:s2], [sflag:$0x1] =	stream.indirect_vreg.gather [hbm4b:s9+s4], $0x80, v2, vm0, $0xb8;
	[tilespmem:$0x1A200] =	vst v63  }
0x2d: {  	s5 =	simm.s32 $0x12A00  }
0x2e: {  	[tilespmem:s5], [sflag:$0x1] =	stream.indirect_vreg.gather [hbm4b:s10+s4], $0x80, v2, vm0, $0xb8;
	[tilespmem:$0x1A200] =	vst v63  }
0x2f: {  	s22 =	simm.s32 $0x13200  }
0x30: {  	[tilespmem:s22], [sflag:$0x1] =	stream.indirect_vreg.gather [hbm4b:s11+s4], $0x80, v2, vm0, $0xb8;
	[tilespmem:$0x1A200] =	vst v63  }
0x31: {  	s25 =	simm.s32 $0x13A00  }
0x32: {  	[tilespmem:s25], [sflag:$0x1] =	stream.indirect_vreg.gather [hbm4b:s12+s4], $0x80, v2, vm0, $0xb8;
	[tilespmem:$0x1A200] =	vst v63  }
0x33: {  	s26 =	simm.s32 $0x14200  }
0x34: {  	[tilespmem:s26], [sflag:$0x1] =	stream.indirect_vreg.gather [hbm4b:s13+s4], $0x80, v2, vm0, $0xb8;
	[tilespmem:$0x1A200] =	vst v63  }
0x35: {  	s30 =	simm.s32 $0x14A00  }
0x36: {  	[tilespmem:s30], [sflag:$0x1] =	stream.indirect_vreg.gather [hbm4b:s14+s4], $0x80, v2, vm0, $0xb8;
	[tilespmem:$0x1A200] =	vst v63  }
0x37: {  	s31 =	simm.s32 $0x15200  }
0x38: {  	[tilespmem:s31], [sflag:$0x1] =	stream.indirect_vreg.gather [hbm4b:s15+s4], $0x80, v2, vm0, $0xb8;
	[tilespmem:$0x1A200] =	vst v63  }
0x39: {  	s2 =	simm.s32 $0x15A00  }
0x3a: {  	[tilespmem:s2], [sflag:$0x1] =	stream.indirect_vreg.gather [hbm4b:s16+s4], $0x80, v2, vm0, $0xb8;
	[tilespmem:$0x1A200] =	vst v63  }
0x3b: {  	s5 =	simm.s32 $0x16200  }
0x3c: {  	[tilespmem:s5], [sflag:$0x1] =	stream.indirect_vreg.gather [hbm4b:s17+s4], $0x80, v2, vm0, $0xb8;
	[tilespmem:$0x1A200] =	vst v63  }
0x3d: {  	s22 =	simm.s32 $0x16A00  }
0x3e: {  	[tilespmem:s22], [sflag:$0x1] =	stream.indirect_vreg.gather [hbm4b:s18+s4], $0x80, v2, vm0, $0xb8;
	[tilespmem:$0x1A200] =	vst v63  }
0x3f: {  	s25 =	simm.s32 $0x17200  }
0x40: {  	[tilespmem:s25], [sflag:$0x1] =	stream.indirect_vreg.gather [hbm4b:s19+s4], $0x80, v2, vm0, $0xb8;
	[tilespmem:$0x1A200] =	vst v63  }
0x41: {  	s26 =	simm.s32 $0x17A00  }
0x42: {  	[tilespmem:s26], [sflag:$0x1] =	stream.indirect_vreg.gather [hbm4b:s20+s4], $0x80, v2, vm0, $0xb8;
	[tilespmem:$0x1A200] =	vst v63  }
0x43: {  	_ =	swait.ge [sflag:s29], $0x8000  }
0x44: {  	[sflag:s29] =	ssyncset.done $0x0  }
0x45: {  	s2 =	sshll.u32 s1, $0xA;
	s5 =	simm.s32 $0x0;
	[sflag:s29] =	ssyncadd.s32 $0xFFFF8000  }
0x46: {  	s5 =	sand.u32 $0x3FFFFC00, s5;
	s4 =	sand.u32 $0x70, s4;
	v2 =	vld [tilespmem:s2+$0x200]  }
0x47: {  	s5 =	sor.u32 s4, s5;
	v4 =	vld [tilespmem:s2+$0x280]  }
0x48: {  	s22 =	sadd.s32 $0x10200, s5;
	v3 =	vld [tilespmem:s5+$0x10200]  }
0x49: {  	v5 =	vld [tilespmem:s22+$0x80]  }
0x4a: {  	v7 =	vld [tilespmem:s2+$0x300]  }
0x4b: {  	v6 =	vld [tilespmem:s22+$0x100]  }
0x4c: {  	v8 =	vld [tilespmem:s2+$0x380]  }
0x4d: {  	v9 =	vld [tilespmem:s22+$0x180]  }
0x4e: {  	v3 =	vmul.f32 v3, v2;
	v5 =	vmul.f32 v5, v4;
	_ =	sdelay $0x1  }
0x4f: {  	v6 =	vmul.f32 v6, v7;
	v5 =	vadd.f32 v5, v3;
	_ =	sdelay $0x1  }
0x50: {  	v9 =	vmul.f32 v9, v8;
	v10 =	vadd.f32 v6, v5  }
0x51: {  	s30 =	simm.s32 $0x0;
	v3 =	vld [tilespmem:s2+$0x400]  }
0x52: {  	s5 =	sand.u32 $0x3FFFFF00, s30;
	v5 =	vld [tilespmem:s2+$0x480];
	v10 =	vadd.f32 v9, v10  }
0x53: {  	s26 =	sor.u32 s4, s5;
	v6 =	vld [tilespmem:s2+$0x500]  }
0x54: {  	v9 =	vld [tilespmem:s2+$0x580];
	[tilespmem:s26+$0x18200] =	vst v10  }
0x55: {  	v10 =	vld [tilespmem:s22+$0x200]  }
0x56: {  	v11 =	vld [tilespmem:s22+$0x280];
	_ =	sdelay $0x1  }
0x57: {  	v12 =	vld [tilespmem:s22+$0x300];
	_ =	sdelay $0x1  }
0x58: {  	v13 =	vld [tilespmem:s22+$0x380]  }
0x59: {  	v10 =	vmul.f32 v10, v3;
	v11 =	vmul.f32 v11, v5;
	_ =	sdelay $0x1  }
0x5a: {  	v12 =	vmul.f32 v12, v6;
	v10 =	vadd.f32 v11, v10;
	_ =	sdelay $0x1  }
0x5b: {  	s28 =	simm.s32 $0x80;
	v11 =	vmul.f32 v13, v9;
	v10 =	vadd.f32 v12, v10  }
0x5c: {  	s31 =	simm.s32 $0x10;
	s25 =	simm.s32 $0x2;
	s5 =	simm.s32 $0x1  }
0x5d: {  	s4 =	sand.u32 $0x70, s31;
	s26 =	sadd.s32 $0x18200, s26;
	s22 =	simm.s32 $0x20;
	v10 =	vadd.f32 v11, v10  }
.LBB2_3:
0x5e: {  	s31 =	sand.u32 $0x70, s22  }
0x5f: {  	s28 =	sand.u32 $0x3FFFFC00, s28;
	s0 =	smov.u32 s25;
	s30 =	sadd.s32 $0x1, s25  }
0x60: {  	p0 =	sne.s32 s25, $0xFF;
	s25 =	sor.u32 s4, s28;
	[tilespmem:s26+$0x80] =	vst v10  }
0x61: {  	s26 =	sadd.s32 $0x10200, s25;
	v10 =	vld [tilespmem:s25+$0x10200]  }
0x62: {  	v11 =	vld [tilespmem:s26+$0x80];
	_ =	sdelay $0x1  }
0x63: {  	v12 =	vld [tilespmem:s26+$0x100];
	_ =	sdelay $0x1  }
0x64: {  	v13 =	vld [tilespmem:s26+$0x180]  }
0x65: {  	v10 =	vmul.f32 v10, v2;
	v11 =	vmul.f32 v11, v4;
	_ =	sdelay $0x1  }
0x66: {  	v10 =	vadd.f32 v11, v10;
	v11 =	vmul.f32 v12, v7;
	_ =	sdelay $0x1  }
0x67: {  	v10 =	vadd.f32 v11, v10;
	v11 =	vmul.f32 v13, v8  }
0x68: {  	s25 =	sshll.u32 s5, $0x5;
	s5 =	smov.u32 s0  }
0x69: {  	s0 =	sand.u32 $0x3FFFFF00, s25;
	v10 =	vadd.f32 v11, v10  }
0x6a: {  	s0 =	sor.u32 s4, s0;
	s4 =	smov.u32 s31  }
0x6b: {  	[tilespmem:s0+$0x18200] =	vst v10  }
0x6c: {  	v10 =	vld [tilespmem:s26+$0x200]  }
0x6d: {  	v11 =	vld [tilespmem:s26+$0x280]  }
0x6e: {  	v12 =	vld [tilespmem:s26+$0x300]  }
0x6f: {  	v13 =	vld [tilespmem:s26+$0x380];
	_ =	sdelay $0x1  }
0x70: {  	v10 =	vmul.f32 v10, v3  }
0x71: {  	v11 =	vmul.f32 v11, v5  }
0x72: {  	v12 =	vmul.f32 v12, v6  }
.Ltmp0:
0x73: {  	v10 =	vadd.f32 v11, v10;
	(pc) =	sbr.rel @p0 .LBB2_3-.Ltmp0, $4  }
0x74: {  	v11 =	vmul.f32 v13, v9  }
0x75: {  	v10 =	vadd.f32 v12, v10  }
0x76: {  	s22 =	sadd.s32 $0x10, s22  }
0x77: {  	s28 =	sshll.u32 s5, $0x7;
	s25 =	smov.u32 s30;
	s26 =	sadd.s32 $0x18200, s0;
	v10 =	vadd.f32 v11, v10  }
0x78: {  	s0 =	sand.u32 $0x3FFFFC00, s28  }
0x79: {  	s0 =	sor.u32 s4, s0;
	[tilespmem:s26+$0x80] =	vst v10  }
0x7a: {  	s22 =	sadd.s32 $0x10200, s0;
	v10 =	vld [tilespmem:s0+$0x10200]  }
0x7b: {  	v11 =	vld [tilespmem:s22+$0x80];
	_ =	sdelay $0x1  }
0x7c: {  	v12 =	vld [tilespmem:s22+$0x100];
	_ =	sdelay $0x1  }
0x7d: {  	v13 =	vld [tilespmem:s22+$0x180]  }
0x7e: {  	v2 =	vmul.f32 v10, v2;
	v4 =	vmul.f32 v11, v4;
	_ =	sdelay $0x1  }
0x7f: {  	v58 =	vmul.f32 v12, v7;
	v2 =	vadd.f32 v4, v2;
	_ =	sdelay $0x1  }
0x80: {  	v59 =	vmul.f32 v13, v8;
	v2 =	vadd.f32 v58, v2  }
0x81: {  	s5 =	sshll.u32 s5, $0x5  }
0x82: {  	s0 =	sand.u32 $0x3FFFFF00, s5;
	v2 =	vadd.f32 v59, v2  }
0x83: {  	s0 =	sor.u32 s4, s0  }
0x84: {  	[tilespmem:s0+$0x18200] =	vst v2  }
0x85: {  	v2 =	vld [tilespmem:s22+$0x200]  }
0x86: {  	v60 =	vld [tilespmem:s22+$0x280];
	_ =	sdelay $0x1  }
0x87: {  	v61 =	vld [tilespmem:s22+$0x300];
	_ =	sdelay $0x1  }
0x88: {  	v62 =	vld [tilespmem:s22+$0x380]  }
0x89: {  	v2 =	vmul.f32 v2, v3;
	v3 =	vmul.f32 v60, v5;
	_ =	sdelay $0x1  }
0x8a: {  	v63 =	vmul.f32 v61, v6;
	v2 =	vadd.f32 v3, v2;
	_ =	sdelay $0x1  }
0x8b: {  	v3 =	vmul.f32 v62, v9;
	v2 =	vadd.f32 v63, v2  }
0x8c: {  	s2 =	sand.u32 $0xF000, s2;
	s25 =	sand.u32 $0x60, s24  }
0x8d: {  	s28 =	simm.s32 $0x100;
	s30 =	simm.s32 $0x400;
	s1 =	sadd.s32 $0x1, s1;
	v2 =	vadd.f32 v3, v2  }
0x8e: {  	s2 =	sadd.s32 s2, s21;
	p0 =	sne.s32 s1, $0x40;
	s0 =	sadd.s32 $0x18200, s0  }
.Ltmp1:
0x8f: {  	s31 =	simm.s32 $0x18200;
	s26 =	sadd.s32 s25, s2;
	[tilespmem:s0+$0x80] =	vst v2;
	(pc) =	sbr.rel @p0 .LBB2_2-.Ltmp1, $4  }
0x90: {  	[hbm4b:s26+s28] =	stream.strided.scatter [tilespmem:s31], [sflag:$0x2], $0x2000, s30, s28, $0x38;
	[tilespmem:$0x1A200] =	vst v63  }
0x91: {  	_ =	swait.ge [sflag:s23], $0x2000  }
0x92: {  	[sflag:s23] =	ssyncset.done $0x0  }
0x93: {  	[sflag:s23] =	ssyncadd.s32 $0xFFFFE000  }
0x94: {  	s1 =	rddreg [dreg:$0x6]  }
0x95: {  	s0 =	rddreg [dreg:$0x5];
	s1 =	sadd.s32 $0x1, s1  }
0x96: {  	p0 =	sne.s32 s1, s0  }
.Ltmp2:
0x97: {  	_ = 	snop;
	(pc) =	sbr.rel @p0 .LBB2_1-.Ltmp2, $1  }
0x98: {  	_ =	sdelay $0x3  }
0x99: {  	_ =	sfence.sel $0x180000  }
0x9a: {  	[bflag:$0x0] =	sbarrier.arrive $0xFFFF  }
0x9b: {  	_ =	strace $0x90000047  }
0x9c: {  	s0 =	stileid.u32;
	[bflag:$0x2] =	sbarrier.arrive $0xFFFF  }
0x9d: {  	p0 =	sne.s32 s0, $0x0;
	s0 =	rddreg [dreg:$0x2]  }
0x9e: {  	s0 =	sadd.s32 @!p0 $0x100000, s0  }
0x9f: {  	[sflag:s0] =	ssyncadd.tile.s32 @!p0 $0x1;
	_ =	shalt  }
.Lfunc_end2:
_tile_overlayer_lowered:
.L_overlay_start_2:
0xa0: {  	(tag) =	ssettag $0x2  }
0xa1: {  	s0 =	rddreg [dreg:$0x0];
	s2 =	stileid.u32  }
0xa2: {  	s1 =	rddreg [dreg:$0x1];
	p0 =	sne.s32 s2, $0x0  }
0xa3: {  	s3 =	rddreg [dreg:$0x2];
	[bflag:$0x3] =	sbarrier.arrive $0xFFFF;
	s2 =	simm.s32 @!p0 $0x1C02  }
0xa4: {  	[timem:s3], [sflag:s2] =	dma.local @!p0 [hbm:s0], s1  }
0xa5: {  	s0 =	simm.s32 @!p0 $0x2  }
0xa6: {  	_ =	swait.ge @!p0 [sflag:s0], s1  }
0xa7: {  	s1 =	ssub.s32 @!p0 $0x0, s1;
	[sflag:s0] =	ssyncset.done @!p0 $0x0  }
0xa8: {  	[sflag:s0] =	ssyncadd.s32 @!p0 s1  }
0xa9: {  	[bflag:$0x3] =	sbarrier.arrive $0xFFFF  }
0xaa: {  	_ =	shalt  }

</sc_bundles>
